<compile_context>
chip_gen: v7x
topology: tpu7x:2x2x1
jax: 0.10.2.dev20260603
libtpu: 0.0.44.dev20260713+nightly
codegen_flags: <defaults>
</compile_context>

<pallas_src>
import functools

import jax
import jax.numpy as jnp
from jax import lax
from jax.experimental import pallas as pl
from jax.experimental.pallas import tpu as pltpu
from jax.experimental.pallas import tpu_sc as plsc

_N = 10000
_E = 320000
_D = 128

_NC = 2
_NS = 16
_EPW = _E // (_NC * _NS)
_CH = 80
_NCHUNK = _EPW // _CH
_RPT = 624
_TAIL = _N - _NS * _RPT

_ROW_BLK = 1000
_GRID = _N // _ROW_BLK


def _pre_body(x_ref, wr_ref, bl_ref, h_ref, hr_ref):
    h = jnp.maximum(x_ref[...], 0.0)
    h_ref[...] = h
    hr_ref[...] = (
        jnp.dot(h, wr_ref[...], preferred_element_type=jnp.float32,
                precision=lax.Precision.HIGHEST)
        + bl_ref[...]
    )


def _pre(x, W_r, b_l2):
    return pl.pallas_call(
        _pre_body,
        grid=(_GRID,),
        in_specs=[
            pl.BlockSpec((_ROW_BLK, _D), lambda i: (i, 0)),
            pl.BlockSpec((_D, _D), lambda i: (0, 0)),
            pl.BlockSpec((1, _D), lambda i: (0, 0)),
        ],
        out_specs=[
            pl.BlockSpec((_ROW_BLK, _D), lambda i: (i, 0)),
            pl.BlockSpec((_ROW_BLK, _D), lambda i: (i, 0)),
        ],
        out_shape=[
            jax.ShapeDtypeStruct((_N, _D), jnp.float32),
            jax.ShapeDtypeStruct((_N, _D), jnp.float32),
        ],
    )(x, W_r, b_l2)


@functools.partial(
    pl.kernel,
    mesh=plsc.VectorSubcoreMesh(core_axis_name="c", subcore_axis_name="s"),
    out_type=[
        jax.ShapeDtypeStruct((_NC, _N, _D), jnp.float32),
        jax.ShapeDtypeStruct((_NC, _N, _D), jnp.float32),
    ],
    scratch_types=[
        pltpu.VMEM((_CH,), jnp.int32),
        pltpu.VMEM((_CH,), jnp.int32),
        pltpu.VMEM((_CH, _D), jnp.float32),
        pltpu.VMEM((_CH, _D), jnp.float32),
        pltpu.VMEM_SHARED((_N, _D), jnp.float32),
        pltpu.SemaphoreType.DMA,
    ],
)
def _sc_agg(src_hbm, dst_hbm, h_hbm, zero_hbm, ones_hbm,
            agg_out, cnt_out, src_v, dst_v, rows_v, ones_v, sh_acc, sem):
    cid = lax.axis_index("c")
    sid = lax.axis_index("s")
    wid = cid * _NS + sid

    pltpu.sync_copy(ones_hbm, ones_v)

    @pl.when(sid == 0)
    def _init_a():
        pltpu.sync_copy(zero_hbm, sh_acc)

    plsc.subcore_barrier()

    def body_a(j, carry):
        base = wid * _EPW + j * _CH
        pltpu.sync_copy(src_hbm.at[pl.ds(base, _CH)], src_v)
        pltpu.sync_copy(dst_hbm.at[pl.ds(base, _CH)], dst_v)
        pltpu.async_copy(h_hbm.at[src_v], rows_v, sem).wait()
        pltpu.sync_copy(rows_v, sh_acc.at[dst_v], add=True)
        return carry

    lax.fori_loop(0, _NCHUNK, body_a, 0)
    plsc.subcore_barrier()

    pltpu.sync_copy(sh_acc.at[pl.ds(sid * _RPT, _RPT)],
                    agg_out.at[cid, pl.ds(sid * _RPT, _RPT)])

    @pl.when(sid == _NS - 1)
    def _drain_a_tail():
        pltpu.sync_copy(sh_acc.at[pl.ds(_NS * _RPT, _TAIL)],
                        agg_out.at[cid, pl.ds(_NS * _RPT, _TAIL)])

    plsc.subcore_barrier()

    @pl.when(sid == 0)
    def _init_b():
        pltpu.sync_copy(zero_hbm, sh_acc)

    plsc.subcore_barrier()

    def body_b(j, carry):
        base = wid * _EPW + j * _CH
        pltpu.sync_copy(dst_hbm.at[pl.ds(base, _CH)], dst_v)
        pltpu.sync_copy(ones_v, sh_acc.at[dst_v], add=True)
        return carry

    lax.fori_loop(0, _NCHUNK, body_b, 0)
    plsc.subcore_barrier()

    pltpu.sync_copy(sh_acc.at[pl.ds(sid * _RPT, _RPT)],
                    cnt_out.at[cid, pl.ds(sid * _RPT, _RPT)])

    @pl.when(sid == _NS - 1)
    def _drain_b_tail():
        pltpu.sync_copy(sh_acc.at[pl.ds(_NS * _RPT, _TAIL)],
                        cnt_out.at[cid, pl.ds(_NS * _RPT, _TAIL)])


def _post_body(aggp_ref, cntp_ref, hr_ref, wl_ref, ws_ref, wt_ref,
               out1_ref, outs_ref, outt_ref):
    agg = aggp_ref[0] + aggp_ref[1]
    cnt = cntp_ref[0, :, 0:1] + cntp_ref[1, :, 0:1]
    mean = agg / jnp.maximum(cnt, 1.0)
    out1 = (
        jnp.dot(mean, wl_ref[...], preferred_element_type=jnp.float32,
                precision=lax.Precision.HIGHEST)
        + hr_ref[...]
    )
    out1_ref[...] = out1
    zn = out1 / jnp.maximum(
        jnp.sqrt(jnp.sum(out1 * out1, axis=1, keepdims=True)), 1e-12)
    ws = ws_ref[...]
    wsn = ws / jnp.maximum(
        jnp.sqrt(jnp.sum(ws * ws, axis=0, keepdims=True)), 1e-12)
    outs_ref[...] = jnp.dot(zn, wsn, preferred_element_type=jnp.float32,
                            precision=lax.Precision.HIGHEST)
    wt = wt_ref[...]
    wtn = wt / jnp.maximum(
        jnp.sqrt(jnp.sum(wt * wt, axis=0, keepdims=True)), 1e-12)
    outt_ref[...] = jnp.dot(zn, wtn, preferred_element_type=jnp.float32,
                            precision=lax.Precision.HIGHEST)


def _post(aggp, cntp, hr, W_l, Ws, Wt):
    return pl.pallas_call(
        _post_body,
        grid=(_GRID,),
        in_specs=[
            pl.BlockSpec((_NC, _ROW_BLK, _D), lambda i: (0, i, 0)),
            pl.BlockSpec((_NC, _ROW_BLK, _D), lambda i: (0, i, 0)),
            pl.BlockSpec((_ROW_BLK, _D), lambda i: (i, 0)),
            pl.BlockSpec((_D, _D), lambda i: (0, 0)),
            pl.BlockSpec((_D, 40), lambda i: (0, 0)),
            pl.BlockSpec((_D, 100), lambda i: (0, 0)),
        ],
        out_specs=[
            pl.BlockSpec((_ROW_BLK, _D), lambda i: (i, 0)),
            pl.BlockSpec((_ROW_BLK, 40), lambda i: (i, 0)),
            pl.BlockSpec((_ROW_BLK, 100), lambda i: (i, 0)),
        ],
        out_shape=[
            jax.ShapeDtypeStruct((_N, _D), jnp.float32),
            jax.ShapeDtypeStruct((_N, 40), jnp.float32),
            jax.ShapeDtypeStruct((_N, 100), jnp.float32),
        ],
    )(aggp, cntp, hr, W_l, Ws, Wt)


def kernel(x, edge_index, W_l, b_l, W_r, Ws, Wt):
    src = edge_index[0]
    dst = edge_index[1]
    h, hr = _pre(x, W_r, b_l.reshape(1, _D))
    zero = jnp.zeros((_N, _D), dtype=jnp.float32)
    ones = jnp.ones((_CH, _D), dtype=jnp.float32)
    aggp, cntp = _sc_agg(src, dst, h, zero, ones)
    out1, out_s, out_t = _post(aggp, cntp, hr, W_l, Ws, Wt)
    return (out1, out_s, out_t)

# --- scband reference (transcript-rebuilt; emitter-appended) ---
"""Pipeline reference for scband-classifier-gcn2-1176821039656 (READ-ONLY COPY).

The authoritative reference and input builder live on the scoring server;
editing this copy changes nothing except your own understanding.
"""

import jax, jax.numpy as jnp
import numpy as np

N = 10000
E = 320000
D = 128
S_CLS = 40
T_CLS = 100


def setup_inputs(seed: int = 0) -> dict:
    key = jax.random.key(seed)
    ks = jax.random.split(key, 8)
    x = jax.random.normal(ks[0], (N, D), dtype=jnp.float32)
    edge_index = jax.random.randint(ks[1], (2, E), 0, N, dtype=jnp.int32)
    # SAGEConv params: lin_l (applied to aggregated neighbors, with bias), lin_r (root, no bias)
    W_l = jax.random.normal(ks[2], (D, D), dtype=jnp.float32) * (1.0 / np.sqrt(D))
    b_l = jnp.zeros((D,), dtype=jnp.float32)
    W_r = jax.random.normal(ks[3], (D, D), dtype=jnp.float32) * (1.0 / np.sqrt(D))
    # NormedLinear weights: uniform(-1, 1)
    Ws = jax.random.uniform(ks[4], (D, S_CLS), dtype=jnp.float32, minval=-1.0, maxval=1.0)
    Wt = jax.random.uniform(ks[5], (D, T_CLS), dtype=jnp.float32, minval=-1.0, maxval=1.0)
    return {"x": x, "edge_index": edge_index, "W_l": W_l, "b_l": b_l, "W_r": W_r, "Ws": Ws, "Wt": Wt}


def _normed_linear(z, W):
    # F.normalize(x, dim=1).mm(F.normalize(W, dim=0)) with eps=1e-12
    zn = z / jnp.clip(jnp.linalg.norm(z, axis=1, keepdims=True), 1e-12)
    Wn = W / jnp.clip(jnp.linalg.norm(W, axis=0, keepdims=True), 1e-12)
    return zn @ Wn


def reference(x, edge_index, W_l, b_l, W_r, Ws, Wt):
    # Classifier_GCN2.forward
    h = jax.nn.relu(x)
    # SAGEConv with mean aggregation: out = lin_l(mean_{j in N(i)} h_j) + lin_r(h_i)
    src = edge_index[0]
    dst = edge_index[1]
    msgs = jnp.take(h, src, axis=0)
    agg = jax.ops.segment_sum(msgs, dst, num_segments=N)
    cnt = jax.ops.segment_sum(jnp.ones((E,), dtype=h.dtype), dst, num_segments=N)
    mean = agg / jnp.clip(cnt, 1.0)[:, None]
    out1 = mean @ W_l + b_l + h @ W_r
    out_s = _normed_linear(out1, Ws)
    out_t = _normed_linear(out1, Wt)
    return (out1, out_s, out_t)

if __name__ == "__main__":
    import jax
    _d = setup_inputs()
    print(jax.jit(kernel)(*tuple(_d.values())))

</pallas_src>

<mosaic_0001>
#map = affine_map<(d0, d1) -> (0)>
#map1 = affine_map<(d0, d1) -> (0, 0)>
#map2 = affine_map<(d0, d1) -> (0, 0, 0)>
module attributes {stable_mosaic.version = 14 : i64} {
  func.func @_sc_agg(%arg0: i32, %arg1: i32, %arg2: memref<320000xi32, #tpu.memory_space<hbm>>, %arg3: memref<320000xi32, #tpu.memory_space<hbm>>, %arg4: memref<10000x128xf32, #tpu.memory_space<hbm>>, %arg5: memref<10000x128xf32, #tpu.memory_space<hbm>>, %arg6: memref<80x128xf32, #tpu.memory_space<hbm>>, %arg7: memref<2x10000x128xf32, #tpu.memory_space<hbm>>, %arg8: memref<2x10000x128xf32, #tpu.memory_space<hbm>>, %arg9: memref<80xi32, #tpu.memory_space<vmem>>, %arg10: memref<80xi32, #tpu.memory_space<vmem>>, %arg11: memref<80x128xf32, #tpu.memory_space<vmem>>, %arg12: memref<80x128xf32, #tpu.memory_space<vmem>>, %arg13: memref<10000x128xf32, #tpu.memory_space<vmem_shared>>, %arg14: memref<!tpu.dma_semaphore, #tpu.memory_space<semaphore_mem>>) attributes {dimension_semantics = [#tpu.dimension_semantics<core_parallel>, #tpu.dimension_semantics<subcore_parallel>], iteration_bounds = array<i64: 2, 16>, scalar_prefetch = 0 : i64, scratch_operands = 6 : i64, tpu.core_type = #tpu.core_type<sc_vector_subcore>, window_params = [{transform_indices = #map}, {transform_indices = #map}, {transform_indices = #map1}, {transform_indices = #map1}, {transform_indices = #map1}, {transform_indices = #map2}, {transform_indices = #map2}]} {
    %mul3A = arith.constant 16 : i32
    %mul3A_0 = arith.muli %arg0, %mul3A : i32
    %add3A = arith.addi %mul3A_0, %arg1 : i32
    "tpu.region"() ({
      %run_scoped3A = tpu.sem_alloc : memref<!tpu.dma_semaphore, #tpu.memory_space<semaphore_mem>>
      tpu.enqueue_dma source(%arg6 : memref<80x128xf32, #tpu.memory_space<hbm>>) target(%arg12 : memref<80x128xf32, #tpu.memory_space<vmem>>) target_semaphore(%run_scoped3A : memref<!tpu.dma_semaphore, #tpu.memory_space<semaphore_mem>>)
      tpu.wait_dma2 semaphore(%run_scoped3A : memref<!tpu.dma_semaphore, #tpu.memory_space<semaphore_mem>>) src(%arg6 : memref<80x128xf32, #tpu.memory_space<hbm>>) dst(%arg12 : memref<80x128xf32, #tpu.memory_space<vmem>>)
      tpu.yield
    }) : () -> ()
    %eq3A = arith.constant 0 : i32
    %eq3A_1 = arith.cmpi eq, %arg1, %eq3A : i32
    %convert_element_type3A = arith.extui %eq3A_1 : i1 to i32
    %cond3A = arith.constant 0 : i32
    %cond3A_2 = arith.cmpi ne, %convert_element_type3A, %cond3A : i32
    scf.if %cond3A_2 {
      "tpu.region"() ({
        %run_scoped3A = tpu.sem_alloc : memref<!tpu.dma_semaphore, #tpu.memory_space<semaphore_mem>>
        tpu.enqueue_dma source(%arg5 : memref<10000x128xf32, #tpu.memory_space<hbm>>) target(%arg13 : memref<10000x128xf32, #tpu.memory_space<vmem_shared>>) target_semaphore(%run_scoped3A : memref<!tpu.dma_semaphore, #tpu.memory_space<semaphore_mem>>)
        tpu.wait_dma2 semaphore(%run_scoped3A : memref<!tpu.dma_semaphore, #tpu.memory_space<semaphore_mem>>) src(%arg5 : memref<10000x128xf32, #tpu.memory_space<hbm>>) dst(%arg13 : memref<10000x128xf32, #tpu.memory_space<vmem_shared>>)
        tpu.yield
      }) : () -> ()
    } else {
    }
    %barrier3A = arith.constant 0 : index
    tpu.barrier barrier_id(%barrier3A)
    %scan3A = arith.constant 0 : i32
    %scan3A_3 = arith.constant 0 : i32
    %scan3A_4 = arith.constant 125 : i32
    %scan3A_5 = arith.addi %scan3A_3, %scan3A_4 : i32
    %scan3A_6 = arith.constant 1 : i32
    scf.for %scan3A_41 = %scan3A_3 to %scan3A_5 step %scan3A_6  : i32 {
      %mul3A_42 = arith.constant 10000 : i32
      %mul3A_43 = arith.muli %add3A, %mul3A_42 : i32
      %mul3A_44 = arith.constant 80 : i32
      %mul3A_45 = arith.muli %scan3A_41, %mul3A_44 : i32
      %add3A_46 = arith.addi %mul3A_43, %mul3A_45 : i32
      "tpu.region"() ({
        %run_scoped3A = tpu.sem_alloc : memref<!tpu.dma_semaphore, #tpu.memory_space<semaphore_mem>>
        %dma_start3A_51 = tpu.memref_slice %arg2[%add3A_46] : memref<320000xi32, #tpu.memory_space<hbm>> -> memref<80xi32, #tpu.memory_space<hbm>>
        %dma_start3A_52 = tpu.memref_slice %arg2[%add3A_46] : memref<320000xi32, #tpu.memory_space<hbm>> -> memref<80xi32, #tpu.memory_space<hbm>>
        tpu.enqueue_dma source(%dma_start3A_52 : memref<80xi32, #tpu.memory_space<hbm>>) target(%arg9 : memref<80xi32, #tpu.memory_space<vmem>>) target_semaphore(%run_scoped3A : memref<!tpu.dma_semaphore, #tpu.memory_space<semaphore_mem>>)
        %dma_wait3A_53 = tpu.memref_slice %arg2[%add3A_46] : memref<320000xi32, #tpu.memory_space<hbm>> -> memref<80xi32, #tpu.memory_space<hbm>>
        %dma_wait3A_54 = tpu.memref_slice %arg2[%add3A_46] : memref<320000xi32, #tpu.memory_space<hbm>> -> memref<80xi32, #tpu.memory_space<hbm>>
        tpu.wait_dma2 semaphore(%run_scoped3A : memref<!tpu.dma_semaphore, #tpu.memory_space<semaphore_mem>>) src(%dma_wait3A_54 : memref<80xi32, #tpu.memory_space<hbm>>) dst(%arg9 : memref<80xi32, #tpu.memory_space<vmem>>)
        tpu.yield
      }) : () -> ()
      "tpu.region"() ({
        %run_scoped3A = tpu.sem_alloc : memref<!tpu.dma_semaphore, #tpu.memory_space<semaphore_mem>>
        %dma_start3A_51 = tpu.memref_slice %arg3[%add3A_46] : memref<320000xi32, #tpu.memory_space<hbm>> -> memref<80xi32, #tpu.memory_space<hbm>>
        %dma_start3A_52 = tpu.memref_slice %arg3[%add3A_46] : memref<320000xi32, #tpu.memory_space<hbm>> -> memref<80xi32, #tpu.memory_space<hbm>>
        tpu.enqueue_dma source(%dma_start3A_52 : memref<80xi32, #tpu.memory_space<hbm>>) target(%arg10 : memref<80xi32, #tpu.memory_space<vmem>>) target_semaphore(%run_scoped3A : memref<!tpu.dma_semaphore, #tpu.memory_space<semaphore_mem>>)
        %dma_wait3A_53 = tpu.memref_slice %arg3[%add3A_46] : memref<320000xi32, #tpu.memory_space<hbm>> -> memref<80xi32, #tpu.memory_space<hbm>>
        %dma_wait3A_54 = tpu.memref_slice %arg3[%add3A_46] : memref<320000xi32, #tpu.memory_space<hbm>> -> memref<80xi32, #tpu.memory_space<hbm>>
        tpu.wait_dma2 semaphore(%run_scoped3A : memref<!tpu.dma_semaphore, #tpu.memory_space<semaphore_mem>>) src(%dma_wait3A_54 : memref<80xi32, #tpu.memory_space<hbm>>) dst(%arg10 : memref<80xi32, #tpu.memory_space<vmem>>)
        tpu.yield
      }) : () -> ()
      %dma_start3A = arith.constant 0 : i32
      %dma_start3A_47 = arith.constant 0 : i32
      %dma_start3A_48 = tpu.memref_slice %arg4[%dma_start3A, %dma_start3A_47] : memref<10000x128xf32, #tpu.memory_space<hbm>> -> memref<10000x128xf32, #tpu.memory_space<hbm>>
      tpu.enqueue_indirect_dma source(%dma_start3A_48 : memref<10000x128xf32, #tpu.memory_space<hbm>>) target(%arg11 : memref<80x128xf32, #tpu.memory_space<vmem>>) offsets(%arg9 : memref<80xi32, #tpu.memory_space<vmem>>) semaphore(%arg14 : memref<!tpu.dma_semaphore, #tpu.memory_space<semaphore_mem>>)
      %dma_wait3A = arith.constant 0 : i32
      %dma_wait3A_49 = arith.constant 0 : i32
      %dma_wait3A_50 = tpu.memref_slice %arg4[%dma_wait3A, %dma_wait3A_49] : memref<10000x128xf32, #tpu.memory_space<hbm>> -> memref<10000x128xf32, #tpu.memory_space<hbm>>
      tpu.wait_indirect_dma semaphore(%arg14 : memref<!tpu.dma_semaphore, #tpu.memory_space<semaphore_mem>>) src(%dma_wait3A_50 : memref<10000x128xf32, #tpu.memory_space<hbm>>) dst(%arg11 : memref<80x128xf32, #tpu.memory_space<vmem>>)
      "tpu.region"() ({
        %run_scoped3A = tpu.sem_alloc : memref<!tpu.dma_semaphore, #tpu.memory_space<semaphore_mem>>
        %dma_start3A_51 = arith.constant 0 : i32
        %dma_start3A_52 = arith.constant 0 : i32
        %dma_start3A_53 = tpu.memref_slice %arg13[%dma_start3A_51, %dma_start3A_52] : memref<10000x128xf32, #tpu.memory_space<vmem_shared>> -> memref<10000x128xf32, #tpu.memory_space<vmem_shared>>
        tpu.enqueue_indirect_dma source(%arg11 : memref<80x128xf32, #tpu.memory_space<vmem>>) target(%dma_start3A_53 : memref<10000x128xf32, #tpu.memory_space<vmem_shared>>) offsets(%arg10 : memref<80xi32, #tpu.memory_space<vmem>>) semaphore(%run_scoped3A : memref<!tpu.dma_semaphore, #tpu.memory_space<semaphore_mem>>) {add = true}
        %dma_wait3A_54 = arith.constant 0 : i32
        %dma_wait3A_55 = arith.constant 0 : i32
        %dma_wait3A_56 = tpu.memref_slice %arg13[%dma_wait3A_54, %dma_wait3A_55] : memref<10000x128xf32, #tpu.memory_space<vmem_shared>> -> memref<10000x128xf32, #tpu.memory_space<vmem_shared>>
        tpu.wait_indirect_dma semaphore(%run_scoped3A : memref<!tpu.dma_semaphore, #tpu.memory_space<semaphore_mem>>) src(%arg11 : memref<80x128xf32, #tpu.memory_space<vmem>>) dst(%dma_wait3A_56 : memref<10000x128xf32, #tpu.memory_space<vmem_shared>>)
        tpu.yield
      }) : () -> ()
    }
    %scan3A_7 = arith.constant 125 : i32
    %barrier3A_8 = arith.constant 0 : index
    tpu.barrier barrier_id(%barrier3A_8)
    %mul3A_9 = arith.constant 624 : i32
    %mul3A_10 = arith.muli %arg1, %mul3A_9 : i32
    %mul3A_11 = arith.constant 624 : i32
    %mul3A_12 = arith.muli %arg1, %mul3A_11 : i32
    "tpu.region"() ({
      %run_scoped3A = tpu.sem_alloc : memref<!tpu.dma_semaphore, #tpu.memory_space<semaphore_mem>>
      %dma_start3A = arith.constant 0 : i32
      %dma_start3A_41 = tpu.memref_slice %arg7[%arg0, %mul3A_12, %dma_start3A] : memref<2x10000x128xf32, #tpu.memory_space<hbm>> -> memref<1x624x128xf32, #tpu.memory_space<hbm>>
      %dma_start3A_42 = tpu.memref_squeeze %dma_start3A_41 : memref<1x624x128xf32, #tpu.memory_space<hbm>> -> memref<624x128xf32, #tpu.memory_space<hbm>>
      %dma_start3A_43 = arith.constant 0 : i32
      %dma_start3A_44 = tpu.memref_slice %arg13[%mul3A_10, %dma_start3A_43] : memref<10000x128xf32, #tpu.memory_space<vmem_shared>> -> memref<624x128xf32, #tpu.memory_space<vmem_shared>>
      tpu.enqueue_dma source(%dma_start3A_44 : memref<624x128xf32, #tpu.memory_space<vmem_shared>>) target(%dma_start3A_42 : memref<624x128xf32, #tpu.memory_space<hbm>>) target_semaphore(%run_scoped3A : memref<!tpu.dma_semaphore, #tpu.memory_space<semaphore_mem>>)
      %dma_wait3A = arith.constant 0 : i32
      %dma_wait3A_45 = tpu.memref_slice %arg7[%arg0, %mul3A_12, %dma_wait3A] : memref<2x10000x128xf32, #tpu.memory_space<hbm>> -> memref<1x624x128xf32, #tpu.memory_space<hbm>>
      %dma_wait3A_46 = tpu.memref_squeeze %dma_wait3A_45 : memref<1x624x128xf32, #tpu.memory_space<hbm>> -> memref<624x128xf32, #tpu.memory_space<hbm>>
      %dma_wait3A_47 = arith.constant 0 : i32
      %dma_wait3A_48 = tpu.memref_slice %arg13[%mul3A_10, %dma_wait3A_47] : memref<10000x128xf32, #tpu.memory_space<vmem_shared>> -> memref<624x128xf32, #tpu.memory_space<vmem_shared>>
      tpu.wait_dma2 semaphore(%run_scoped3A : memref<!tpu.dma_semaphore, #tpu.memory_space<semaphore_mem>>) src(%dma_wait3A_48 : memref<624x128xf32, #tpu.memory_space<vmem_shared>>) dst(%dma_wait3A_46 : memref<624x128xf32, #tpu.memory_space<hbm>>)
      tpu.yield
    }) : () -> ()
    %eq3A_13 = arith.constant 15 : i32
    %eq3A_14 = arith.cmpi eq, %arg1, %eq3A_13 : i32
    %convert_element_type3A_15 = arith.extui %eq3A_14 : i1 to i32
    %cond3A_16 = arith.constant 0 : i32
    %cond3A_17 = arith.cmpi ne, %convert_element_type3A_15, %cond3A_16 : i32
    scf.if %cond3A_17 {
      "tpu.region"() ({
        %run_scoped3A = tpu.sem_alloc : memref<!tpu.dma_semaphore, #tpu.memory_space<semaphore_mem>>
        %dma_start3A = arith.constant 9984 : i32
        %dma_start3A_41 = arith.constant 0 : i32
        %dma_start3A_42 = tpu.memref_slice %arg7[%arg0, %dma_start3A, %dma_start3A_41] : memref<2x10000x128xf32, #tpu.memory_space<hbm>> -> memref<1x16x128xf32, #tpu.memory_space<hbm>>
        %dma_start3A_43 = tpu.memref_squeeze %dma_start3A_42 : memref<1x16x128xf32, #tpu.memory_space<hbm>> -> memref<16x128xf32, #tpu.memory_space<hbm>>
        %dma_start3A_44 = arith.constant 9984 : i32
        %dma_start3A_45 = arith.constant 0 : i32
        %dma_start3A_46 = tpu.memref_slice %arg13[%dma_start3A_44, %dma_start3A_45] : memref<10000x128xf32, #tpu.memory_space<vmem_shared>> -> memref<16x128xf32, #tpu.memory_space<vmem_shared>>
        tpu.enqueue_dma source(%dma_start3A_46 : memref<16x128xf32, #tpu.memory_space<vmem_shared>>) target(%dma_start3A_43 : memref<16x128xf32, #tpu.memory_space<hbm>>) target_semaphore(%run_scoped3A : memref<!tpu.dma_semaphore, #tpu.memory_space<semaphore_mem>>)
        %dma_wait3A = arith.constant 9984 : i32
        %dma_wait3A_47 = arith.constant 0 : i32
        %dma_wait3A_48 = tpu.memref_slice %arg7[%arg0, %dma_wait3A, %dma_wait3A_47] : memref<2x10000x128xf32, #tpu.memory_space<hbm>> -> memref<1x16x128xf32, #tpu.memory_space<hbm>>
        %dma_wait3A_49 = tpu.memref_squeeze %dma_wait3A_48 : memref<1x16x128xf32, #tpu.memory_space<hbm>> -> memref<16x128xf32, #tpu.memory_space<hbm>>
        %dma_wait3A_50 = arith.constant 9984 : i32
        %dma_wait3A_51 = arith.constant 0 : i32
        %dma_wait3A_52 = tpu.memref_slice %arg13[%dma_wait3A_50, %dma_wait3A_51] : memref<10000x128xf32, #tpu.memory_space<vmem_shared>> -> memref<16x128xf32, #tpu.memory_space<vmem_shared>>
        tpu.wait_dma2 semaphore(%run_scoped3A : memref<!tpu.dma_semaphore, #tpu.memory_space<semaphore_mem>>) src(%dma_wait3A_52 : memref<16x128xf32, #tpu.memory_space<vmem_shared>>) dst(%dma_wait3A_49 : memref<16x128xf32, #tpu.memory_space<hbm>>)
        tpu.yield
      }) : () -> ()
    } else {
    }
    %barrier3A_18 = arith.constant 0 : index
    tpu.barrier barrier_id(%barrier3A_18)
    %eq3A_19 = arith.constant 0 : i32
    %eq3A_20 = arith.cmpi eq, %arg1, %eq3A_19 : i32
    %convert_element_type3A_21 = arith.extui %eq3A_20 : i1 to i32
    %cond3A_22 = arith.constant 0 : i32
    %cond3A_23 = arith.cmpi ne, %convert_element_type3A_21, %cond3A_22 : i32
    scf.if %cond3A_23 {
      "tpu.region"() ({
        %run_scoped3A = tpu.sem_alloc : memref<!tpu.dma_semaphore, #tpu.memory_space<semaphore_mem>>
        tpu.enqueue_dma source(%arg5 : memref<10000x128xf32, #tpu.memory_space<hbm>>) target(%arg13 : memref<10000x128xf32, #tpu.memory_space<vmem_shared>>) target_semaphore(%run_scoped3A : memref<!tpu.dma_semaphore, #tpu.memory_space<semaphore_mem>>)
        tpu.wait_dma2 semaphore(%run_scoped3A : memref<!tpu.dma_semaphore, #tpu.memory_space<semaphore_mem>>) src(%arg5 : memref<10000x128xf32, #tpu.memory_space<hbm>>) dst(%arg13 : memref<10000x128xf32, #tpu.memory_space<vmem_shared>>)
        tpu.yield
      }) : () -> ()
    } else {
    }
    %barrier3A_24 = arith.constant 0 : index
    tpu.barrier barrier_id(%barrier3A_24)
    %scan3A_25 = arith.constant 0 : i32
    %scan3A_26 = arith.constant 0 : i32
    %scan3A_27 = arith.constant 125 : i32
    %scan3A_28 = arith.addi %scan3A_26, %scan3A_27 : i32
    %scan3A_29 = arith.constant 1 : i32
    scf.for %scan3A_41 = %scan3A_26 to %scan3A_28 step %scan3A_29  : i32 {
      %mul3A_42 = arith.constant 10000 : i32
      %mul3A_43 = arith.muli %add3A, %mul3A_42 : i32
      %mul3A_44 = arith.constant 80 : i32
      %mul3A_45 = arith.muli %scan3A_41, %mul3A_44 : i32
      %add3A_46 = arith.addi %mul3A_43, %mul3A_45 : i32
      "tpu.region"() ({
        %run_scoped3A = tpu.sem_alloc : memref<!tpu.dma_semaphore, #tpu.memory_space<semaphore_mem>>
        %dma_start3A = tpu.memref_slice %arg3[%add3A_46] : memref<320000xi32, #tpu.memory_space<hbm>> -> memref<80xi32, #tpu.memory_space<hbm>>
        %dma_start3A_47 = tpu.memref_slice %arg3[%add3A_46] : memref<320000xi32, #tpu.memory_space<hbm>> -> memref<80xi32, #tpu.memory_space<hbm>>
        tpu.enqueue_dma source(%dma_start3A_47 : memref<80xi32, #tpu.memory_space<hbm>>) target(%arg10 : memref<80xi32, #tpu.memory_space<vmem>>) target_semaphore(%run_scoped3A : memref<!tpu.dma_semaphore, #tpu.memory_space<semaphore_mem>>)
        %dma_wait3A = tpu.memref_slice %arg3[%add3A_46] : memref<320000xi32, #tpu.memory_space<hbm>> -> memref<80xi32, #tpu.memory_space<hbm>>
        %dma_wait3A_48 = tpu.memref_slice %arg3[%add3A_46] : memref<320000xi32, #tpu.memory_space<hbm>> -> memref<80xi32, #tpu.memory_space<hbm>>
        tpu.wait_dma2 semaphore(%run_scoped3A : memref<!tpu.dma_semaphore, #tpu.memory_space<semaphore_mem>>) src(%dma_wait3A_48 : memref<80xi32, #tpu.memory_space<hbm>>) dst(%arg10 : memref<80xi32, #tpu.memory_space<vmem>>)
        tpu.yield
      }) : () -> ()
      "tpu.region"() ({
        %run_scoped3A = tpu.sem_alloc : memref<!tpu.dma_semaphore, #tpu.memory_space<semaphore_mem>>
        %dma_start3A = arith.constant 0 : i32
        %dma_start3A_47 = arith.constant 0 : i32
        %dma_start3A_48 = tpu.memref_slice %arg13[%dma_start3A, %dma_start3A_47] : memref<10000x128xf32, #tpu.memory_space<vmem_shared>> -> memref<10000x128xf32, #tpu.memory_space<vmem_shared>>
        tpu.enqueue_indirect_dma source(%arg12 : memref<80x128xf32, #tpu.memory_space<vmem>>) target(%dma_start3A_48 : memref<10000x128xf32, #tpu.memory_space<vmem_shared>>) offsets(%arg10 : memref<80xi32, #tpu.memory_space<vmem>>) semaphore(%run_scoped3A : memref<!tpu.dma_semaphore, #tpu.memory_space<semaphore_mem>>) {add = true}
        %dma_wait3A = arith.constant 0 : i32
        %dma_wait3A_49 = arith.constant 0 : i32
        %dma_wait3A_50 = tpu.memref_slice %arg13[%dma_wait3A, %dma_wait3A_49] : memref<10000x128xf32, #tpu.memory_space<vmem_shared>> -> memref<10000x128xf32, #tpu.memory_space<vmem_shared>>
        tpu.wait_indirect_dma semaphore(%run_scoped3A : memref<!tpu.dma_semaphore, #tpu.memory_space<semaphore_mem>>) src(%arg12 : memref<80x128xf32, #tpu.memory_space<vmem>>) dst(%dma_wait3A_50 : memref<10000x128xf32, #tpu.memory_space<vmem_shared>>)
        tpu.yield
      }) : () -> ()
    }
    %scan3A_30 = arith.constant 125 : i32
    %barrier3A_31 = arith.constant 0 : index
    tpu.barrier barrier_id(%barrier3A_31)
    %mul3A_32 = arith.constant 624 : i32
    %mul3A_33 = arith.muli %arg1, %mul3A_32 : i32
    %mul3A_34 = arith.constant 624 : i32
    %mul3A_35 = arith.muli %arg1, %mul3A_34 : i32
    "tpu.region"() ({
      %run_scoped3A = tpu.sem_alloc : memref<!tpu.dma_semaphore, #tpu.memory_space<semaphore_mem>>
      %dma_start3A = arith.constant 0 : i32
      %dma_start3A_41 = tpu.memref_slice %arg8[%arg0, %mul3A_35, %dma_start3A] : memref<2x10000x128xf32, #tpu.memory_space<hbm>> -> memref<1x624x128xf32, #tpu.memory_space<hbm>>
      %dma_start3A_42 = tpu.memref_squeeze %dma_start3A_41 : memref<1x624x128xf32, #tpu.memory_space<hbm>> -> memref<624x128xf32, #tpu.memory_space<hbm>>
      %dma_start3A_43 = arith.constant 0 : i32
      %dma_start3A_44 = tpu.memref_slice %arg13[%mul3A_33, %dma_start3A_43] : memref<10000x128xf32, #tpu.memory_space<vmem_shared>> -> memref<624x128xf32, #tpu.memory_space<vmem_shared>>
      tpu.enqueue_dma source(%dma_start3A_44 : memref<624x128xf32, #tpu.memory_space<vmem_shared>>) target(%dma_start3A_42 : memref<624x128xf32, #tpu.memory_space<hbm>>) target_semaphore(%run_scoped3A : memref<!tpu.dma_semaphore, #tpu.memory_space<semaphore_mem>>)
      %dma_wait3A = arith.constant 0 : i32
      %dma_wait3A_45 = tpu.memref_slice %arg8[%arg0, %mul3A_35, %dma_wait3A] : memref<2x10000x128xf32, #tpu.memory_space<hbm>> -> memref<1x624x128xf32, #tpu.memory_space<hbm>>
      %dma_wait3A_46 = tpu.memref_squeeze %dma_wait3A_45 : memref<1x624x128xf32, #tpu.memory_space<hbm>> -> memref<624x128xf32, #tpu.memory_space<hbm>>
      %dma_wait3A_47 = arith.constant 0 : i32
      %dma_wait3A_48 = tpu.memref_slice %arg13[%mul3A_33, %dma_wait3A_47] : memref<10000x128xf32, #tpu.memory_space<vmem_shared>> -> memref<624x128xf32, #tpu.memory_space<vmem_shared>>
      tpu.wait_dma2 semaphore(%run_scoped3A : memref<!tpu.dma_semaphore, #tpu.memory_space<semaphore_mem>>) src(%dma_wait3A_48 : memref<624x128xf32, #tpu.memory_space<vmem_shared>>) dst(%dma_wait3A_46 : memref<624x128xf32, #tpu.memory_space<hbm>>)
      tpu.yield
    }) : () -> ()
    %eq3A_36 = arith.constant 15 : i32
    %eq3A_37 = arith.cmpi eq, %arg1, %eq3A_36 : i32
    %convert_element_type3A_38 = arith.extui %eq3A_37 : i1 to i32
    %cond3A_39 = arith.constant 0 : i32
    %cond3A_40 = arith.cmpi ne, %convert_element_type3A_38, %cond3A_39 : i32
    scf.if %cond3A_40 {
      "tpu.region"() ({
        %run_scoped3A = tpu.sem_alloc : memref<!tpu.dma_semaphore, #tpu.memory_space<semaphore_mem>>
        %dma_start3A = arith.constant 9984 : i32
        %dma_start3A_41 = arith.constant 0 : i32
        %dma_start3A_42 = tpu.memref_slice %arg8[%arg0, %dma_start3A, %dma_start3A_41] : memref<2x10000x128xf32, #tpu.memory_space<hbm>> -> memref<1x16x128xf32, #tpu.memory_space<hbm>>
        %dma_start3A_43 = tpu.memref_squeeze %dma_start3A_42 : memref<1x16x128xf32, #tpu.memory_space<hbm>> -> memref<16x128xf32, #tpu.memory_space<hbm>>
        %dma_start3A_44 = arith.constant 9984 : i32
        %dma_start3A_45 = arith.constant 0 : i32
        %dma_start3A_46 = tpu.memref_slice %arg13[%dma_start3A_44, %dma_start3A_45] : memref<10000x128xf32, #tpu.memory_space<vmem_shared>> -> memref<16x128xf32, #tpu.memory_space<vmem_shared>>
        tpu.enqueue_dma source(%dma_start3A_46 : memref<16x128xf32, #tpu.memory_space<vmem_shared>>) target(%dma_start3A_43 : memref<16x128xf32, #tpu.memory_space<hbm>>) target_semaphore(%run_scoped3A : memref<!tpu.dma_semaphore, #tpu.memory_space<semaphore_mem>>)
        %dma_wait3A = arith.constant 9984 : i32
        %dma_wait3A_47 = arith.constant 0 : i32
        %dma_wait3A_48 = tpu.memref_slice %arg8[%arg0, %dma_wait3A, %dma_wait3A_47] : memref<2x10000x128xf32, #tpu.memory_space<hbm>> -> memref<1x16x128xf32, #tpu.memory_space<hbm>>
        %dma_wait3A_49 = tpu.memref_squeeze %dma_wait3A_48 : memref<1x16x128xf32, #tpu.memory_space<hbm>> -> memref<16x128xf32, #tpu.memory_space<hbm>>
        %dma_wait3A_50 = arith.constant 9984 : i32
        %dma_wait3A_51 = arith.constant 0 : i32
        %dma_wait3A_52 = tpu.memref_slice %arg13[%dma_wait3A_50, %dma_wait3A_51] : memref<10000x128xf32, #tpu.memory_space<vmem_shared>> -> memref<16x128xf32, #tpu.memory_space<vmem_shared>>
        tpu.wait_dma2 semaphore(%run_scoped3A : memref<!tpu.dma_semaphore, #tpu.memory_space<semaphore_mem>>) src(%dma_wait3A_52 : memref<16x128xf32, #tpu.memory_space<vmem_shared>>) dst(%dma_wait3A_49 : memref<16x128xf32, #tpu.memory_space<hbm>>)
        tpu.yield
      }) : () -> ()
    } else {
    }
    return
  }
}

module attributes {stable_mosaic.version = 14 : i64} {
  func.func @_pre_body(%arg0: i32, %arg1: memref<1000x128xf32, #tpu.memory_space<vmem>>, %arg2: memref<128x128xf32, #tpu.memory_space<vmem>>, %arg3: memref<1x128xf32, #tpu.memory_space<vmem>>, %arg4: memref<1000x128xf32, #tpu.memory_space<vmem>>, %arg5: memref<1000x128xf32, #tpu.memory_space<vmem>>) attributes {dimension_semantics = [#tpu.dimension_semantics<arbitrary>], iteration_bounds = array<i64: 10>, scalar_prefetch = 0 : i64, scratch_operands = 0 : i64, tpu.core_type = #tpu.core_type<tc>, window_params = [{transform_indices = @transform_0, window_bounds = array<i64: 1000, 128>}, {pipeline_mode = #tpu.pipeline_mode<synchronous>, transform_indices = @transform_1, window_bounds = array<i64: 128, 128>}, {pipeline_mode = #tpu.pipeline_mode<synchronous>, transform_indices = @transform_2, window_bounds = array<i64: 1, 128>}, {transform_indices = @transform_3, window_bounds = array<i64: 1000, 128>}, {transform_indices = @transform_4, window_bounds = array<i64: 1000, 128>}]} {
    %get3A = arith.constant 0 : index
    %get3A_0 = arith.constant 0 : index
    %get3A_1 = vector.load %arg1[%get3A, %get3A_0] : memref<1000x128xf32, #tpu.memory_space<vmem>>, vector<1000x128xf32>
    %max3A = arith.constant 0.000000e+00 : f32
    %max3A_2 = vector.broadcast %max3A : f32 to vector<1000x128xf32>
    %max3A_3 = arith.maximumf %get3A_1, %max3A_2 : vector<1000x128xf32>
    %swap3A = arith.constant 0 : index
    %swap3A_4 = arith.constant 0 : index
    %swap3A_5 = vector.load %arg4[%swap3A, %swap3A_4] : memref<1000x128xf32, #tpu.memory_space<vmem>>, vector<1000x128xf32>
    tpu.vector_store %arg4[%swap3A, %swap3A_4], %max3A_3 {strides = array<i32>} : memref<1000x128xf32, #tpu.memory_space<vmem>>, vector<1000x128xf32>,
    %get3A_6 = arith.constant 0 : index
    %get3A_7 = arith.constant 0 : index
    %get3A_8 = vector.load %arg2[%get3A_6, %get3A_7] : memref<128x128xf32, #tpu.memory_space<vmem>>, vector<128x128xf32>
    %dot_general3A = arith.constant dense<0.000000e+00> : vector<1000x128xf32>
    %dot_general3A_9 = tpu.matmul %max3A_3, %get3A_8, %dot_general3A {dimension_numbers = #tpu.dot_dimension_numbers<[1], [0], [0], [1], [0, 0, 1, 1], [], []>, precision = #tpu.contract_precision<fp32>, transpose_lhs_hint = false} : vector<1000x128xf32>, vector<128x128xf32>, vector<1000x128xf32> -> vector<1000x128xf32>
    %get3A_10 = arith.constant 0 : index
    %get3A_11 = arith.constant 0 : index
    %get3A_12 = vector.load %arg3[%get3A_10, %get3A_11] : memref<1x128xf32, #tpu.memory_space<vmem>>, vector<1x128xf32>
    %add3A = vector.broadcast %get3A_12 : vector<1x128xf32> to vector<1000x128xf32>
    %add3A_13 = arith.addf %dot_general3A_9, %add3A : vector<1000x128xf32>
    %swap3A_14 = arith.constant 0 : index
    %swap3A_15 = arith.constant 0 : index
    %swap3A_16 = vector.load %arg5[%swap3A_14, %swap3A_15] : memref<1000x128xf32, #tpu.memory_space<vmem>>, vector<1000x128xf32>
    tpu.vector_store %arg5[%swap3A_14, %swap3A_15], %add3A_13 {strides = array<i32>} : memref<1000x128xf32, #tpu.memory_space<vmem>>, vector<1000x128xf32>,
    return
  }
  func.func @transform_0(%arg0: i32) -> (i32, i32) {
    %c0_i32 = arith.constant 0 : i32
    %c0_i32_0 = arith.constant 0 : i32
    return %arg0, %c0_i32 : i32, i32
  }
  func.func @transform_1(%arg0: i32) -> (i32, i32) {
    %c0_i32 = arith.constant 0 : i32
    %c0_i32_0 = arith.constant 0 : i32
    %c0_i32_1 = arith.constant 0 : i32
    return %c0_i32, %c0_i32_0 : i32, i32
  }
  func.func @transform_2(%arg0: i32) -> (i32, i32) {
    %c0_i32 = arith.constant 0 : i32
    %c0_i32_0 = arith.constant 0 : i32
    %c0_i32_1 = arith.constant 0 : i32
    return %c0_i32, %c0_i32_0 : i32, i32
  }
  func.func @transform_3(%arg0: i32) -> (i32, i32) {
    %c0_i32 = arith.constant 0 : i32
    %c0_i32_0 = arith.constant 0 : i32
    return %arg0, %c0_i32 : i32, i32
  }
  func.func @transform_4(%arg0: i32) -> (i32, i32) {
    %c0_i32 = arith.constant 0 : i32
    %c0_i32_0 = arith.constant 0 : i32
    return %arg0, %c0_i32 : i32, i32
  }
}

module attributes {stable_mosaic.version = 14 : i64} {
  func.func @_post_body(%arg0: i32, %arg1: memref<2x1000x128xf32, #tpu.memory_space<vmem>>, %arg2: memref<2x1000x128xf32, #tpu.memory_space<vmem>>, %arg3: memref<1000x128xf32, #tpu.memory_space<vmem>>, %arg4: memref<128x128xf32, #tpu.memory_space<vmem>>, %arg5: memref<128x40xf32, #tpu.memory_space<vmem>>, %arg6: memref<128x100xf32, #tpu.memory_space<vmem>>, %arg7: memref<1000x128xf32, #tpu.memory_space<vmem>>, %arg8: memref<1000x40xf32, #tpu.memory_space<vmem>>, %arg9: memref<1000x100xf32, #tpu.memory_space<vmem>>) attributes {dimension_semantics = [#tpu.dimension_semantics<arbitrary>], iteration_bounds = array<i64: 10>, scalar_prefetch = 0 : i64, scratch_operands = 0 : i64, tpu.core_type = #tpu.core_type<tc>, window_params = [{transform_indices = @transform_0, window_bounds = array<i64: 2, 1000, 128>}, {transform_indices = @transform_1, window_bounds = array<i64: 2, 1000, 128>}, {transform_indices = @transform_2, window_bounds = array<i64: 1000, 128>}, {pipeline_mode = #tpu.pipeline_mode<synchronous>, transform_indices = @transform_3, window_bounds = array<i64: 128, 128>}, {pipeline_mode = #tpu.pipeline_mode<synchronous>, transform_indices = @transform_4, window_bounds = array<i64: 128, 40>}, {pipeline_mode = #tpu.pipeline_mode<synchronous>, transform_indices = @transform_5, window_bounds = array<i64: 128, 100>}, {transform_indices = @transform_6, window_bounds = array<i64: 1000, 128>}, {transform_indices = @transform_7, window_bounds = array<i64: 1000, 40>}, {transform_indices = @transform_8, window_bounds = array<i64: 1000, 100>}]} {
    %get3A = arith.constant 0 : index
    %get3A_0 = arith.constant 0 : index
    %get3A_1 = arith.constant 0 : index
    %get3A_2 = vector.load %arg1[%get3A, %get3A_0, %get3A_1] : memref<2x1000x128xf32, #tpu.memory_space<vmem>>, vector<1x1000x128xf32>
    %get3A_3 = vector.shape_cast %get3A_2 : vector<1x1000x128xf32> to vector<1000x128xf32>
    %get3A_4 = arith.constant 1 : index
    %get3A_5 = arith.constant 0 : index
    %get3A_6 = arith.constant 0 : index
    %get3A_7 = vector.load %arg1[%get3A_4, %get3A_5, %get3A_6] : memref<2x1000x128xf32, #tpu.memory_space<vmem>>, vector<1x1000x128xf32>
    %get3A_8 = vector.shape_cast %get3A_7 : vector<1x1000x128xf32> to vector<1000x128xf32>
    %add3A = arith.addf %get3A_3, %get3A_8 : vector<1000x128xf32>
    %get3A_9 = arith.constant 0 : index
    %get3A_10 = arith.constant 0 : index
    %get3A_11 = arith.constant 0 : index
    %get3A_12 = vector.load %arg2[%get3A_9, %get3A_10, %get3A_11] : memref<2x1000x128xf32, #tpu.memory_space<vmem>>, vector<1x1000x1xf32>
    %get3A_13 = vector.shape_cast %get3A_12 : vector<1x1000x1xf32> to vector<1000x1xf32>
    %get3A_14 = arith.constant 1 : index
    %get3A_15 = arith.constant 0 : index
    %get3A_16 = arith.constant 0 : index
    %get3A_17 = vector.load %arg2[%get3A_14, %get3A_15, %get3A_16] : memref<2x1000x128xf32, #tpu.memory_space<vmem>>, vector<1x1000x1xf32>
    %get3A_18 = vector.shape_cast %get3A_17 : vector<1x1000x1xf32> to vector<1000x1xf32>
    %add3A_19 = arith.addf %get3A_13, %get3A_18 : vector<1000x1xf32>
    %max3A = arith.constant 1.000000e+00 : f32
    %max3A_20 = vector.broadcast %max3A : f32 to vector<1000x1xf32>
    %max3A_21 = arith.maximumf %add3A_19, %max3A_20 : vector<1000x1xf32>
    %div3A = vector.broadcast %max3A_21 : vector<1000x1xf32> to vector<1000x128xf32>
    %div3A_22 = arith.divf %add3A, %div3A : vector<1000x128xf32>
    %get3A_23 = arith.constant 0 : index
    %get3A_24 = arith.constant 0 : index
    %get3A_25 = vector.load %arg4[%get3A_23, %get3A_24] : memref<128x128xf32, #tpu.memory_space<vmem>>, vector<128x128xf32>
    %dot_general3A = arith.constant dense<0.000000e+00> : vector<1000x128xf32>
    %dot_general3A_26 = tpu.matmul %div3A_22, %get3A_25, %dot_general3A {dimension_numbers = #tpu.dot_dimension_numbers<[1], [0], [0], [1], [0, 0, 1, 1], [], []>, precision = #tpu.contract_precision<fp32>, transpose_lhs_hint = false} : vector<1000x128xf32>, vector<128x128xf32>, vector<1000x128xf32> -> vector<1000x128xf32>
    %get3A_27 = arith.constant 0 : index
    %get3A_28 = arith.constant 0 : index
    %get3A_29 = vector.load %arg3[%get3A_27, %get3A_28] : memref<1000x128xf32, #tpu.memory_space<vmem>>, vector<1000x128xf32>
    %add3A_30 = arith.addf %dot_general3A_26, %get3A_29 : vector<1000x128xf32>
    %swap3A = arith.constant 0 : index
    %swap3A_31 = arith.constant 0 : index
    %swap3A_32 = vector.load %arg7[%swap3A, %swap3A_31] : memref<1000x128xf32, #tpu.memory_space<vmem>>, vector<1000x128xf32>
    tpu.vector_store %arg7[%swap3A, %swap3A_31], %add3A_30 {strides = array<i32>} : memref<1000x128xf32, #tpu.memory_space<vmem>>, vector<1000x128xf32>,
    %mul3A = arith.mulf %add3A_30, %add3A_30 : vector<1000x128xf32>
    %reduce_sum3A = arith.constant dense<0.000000e+00> : vector<1000xf32>
    %reduce_sum3A_33 = vector.multi_reduction <add>, %mul3A, %reduce_sum3A [1] : vector<1000x128xf32> to vector<1000xf32>
    %broadcast_in_dim3A = vector.shape_cast %reduce_sum3A_33 : vector<1000xf32> to vector<1000x1xf32>
    %sqrt3A = math.sqrt %broadcast_in_dim3A : vector<1000x1xf32>
    %max3A_34 = arith.constant 9.99999996E-13 : f32
    %max3A_35 = vector.broadcast %max3A_34 : f32 to vector<1000x1xf32>
    %max3A_36 = arith.maximumf %sqrt3A, %max3A_35 : vector<1000x1xf32>
    %div3A_37 = vector.broadcast %max3A_36 : vector<1000x1xf32> to vector<1000x128xf32>
    %div3A_38 = arith.divf %add3A_30, %div3A_37 : vector<1000x128xf32>
    %get3A_39 = arith.constant 0 : index
    %get3A_40 = arith.constant 0 : index
    %get3A_41 = vector.load %arg5[%get3A_39, %get3A_40] : memref<128x40xf32, #tpu.memory_space<vmem>>, vector<128x40xf32>
    %mul3A_42 = arith.mulf %get3A_41, %get3A_41 : vector<128x40xf32>
    %reduce_sum3A_43 = arith.constant dense<0.000000e+00> : vector<40xf32>
    %reduce_sum3A_44 = vector.multi_reduction <add>, %mul3A_42, %reduce_sum3A_43 [0] : vector<128x40xf32> to vector<40xf32>
    %broadcast_in_dim3A_45 = vector.shape_cast %reduce_sum3A_44 : vector<40xf32> to vector<1x40xf32>
    %sqrt3A_46 = math.sqrt %broadcast_in_dim3A_45 : vector<1x40xf32>
    %max3A_47 = arith.constant 9.99999996E-13 : f32
    %max3A_48 = vector.broadcast %max3A_47 : f32 to vector<1x40xf32>
    %max3A_49 = arith.maximumf %sqrt3A_46, %max3A_48 : vector<1x40xf32>
    %div3A_50 = vector.broadcast %max3A_49 : vector<1x40xf32> to vector<128x40xf32>
    %div3A_51 = arith.divf %get3A_41, %div3A_50 : vector<128x40xf32>
    %dot_general3A_52 = arith.constant dense<0.000000e+00> : vector<1000x40xf32>
    %dot_general3A_53 = tpu.matmul %div3A_38, %div3A_51, %dot_general3A_52 {dimension_numbers = #tpu.dot_dimension_numbers<[1], [0], [0], [1], [0, 0, 1, 1], [], []>, precision = #tpu.contract_precision<fp32>, transpose_lhs_hint = false} : vector<1000x128xf32>, vector<128x40xf32>, vector<1000x40xf32> -> vector<1000x40xf32>
    %swap3A_54 = arith.constant 0 : index
    %swap3A_55 = arith.constant 0 : index
    %swap3A_56 = vector.load %arg8[%swap3A_54, %swap3A_55] : memref<1000x40xf32, #tpu.memory_space<vmem>>, vector<1000x40xf32>
    tpu.vector_store %arg8[%swap3A_54, %swap3A_55], %dot_general3A_53 {strides = array<i32>} : memref<1000x40xf32, #tpu.memory_space<vmem>>, vector<1000x40xf32>,
    %get3A_57 = arith.constant 0 : index
    %get3A_58 = arith.constant 0 : index
    %get3A_59 = vector.load %arg6[%get3A_57, %get3A_58] : memref<128x100xf32, #tpu.memory_space<vmem>>, vector<128x100xf32>
    %mul3A_60 = arith.mulf %get3A_59, %get3A_59 : vector<128x100xf32>
    %reduce_sum3A_61 = arith.constant dense<0.000000e+00> : vector<100xf32>
    %reduce_sum3A_62 = vector.multi_reduction <add>, %mul3A_60, %reduce_sum3A_61 [0] : vector<128x100xf32> to vector<100xf32>
    %broadcast_in_dim3A_63 = vector.shape_cast %reduce_sum3A_62 : vector<100xf32> to vector<1x100xf32>
    %sqrt3A_64 = math.sqrt %broadcast_in_dim3A_63 : vector<1x100xf32>
    %max3A_65 = arith.constant 9.99999996E-13 : f32
    %max3A_66 = vector.broadcast %max3A_65 : f32 to vector<1x100xf32>
    %max3A_67 = arith.maximumf %sqrt3A_64, %max3A_66 : vector<1x100xf32>
    %div3A_68 = vector.broadcast %max3A_67 : vector<1x100xf32> to vector<128x100xf32>
    %div3A_69 = arith.divf %get3A_59, %div3A_68 : vector<128x100xf32>
    %dot_general3A_70 = arith.constant dense<0.000000e+00> : vector<1000x100xf32>
    %dot_general3A_71 = tpu.matmul %div3A_38, %div3A_69, %dot_general3A_70 {dimension_numbers = #tpu.dot_dimension_numbers<[1], [0], [0], [1], [0, 0, 1, 1], [], []>, precision = #tpu.contract_precision<fp32>, transpose_lhs_hint = false} : vector<1000x128xf32>, vector<128x100xf32>, vector<1000x100xf32> -> vector<1000x100xf32>
    %swap3A_72 = arith.constant 0 : index
    %swap3A_73 = arith.constant 0 : index
    %swap3A_74 = vector.load %arg9[%swap3A_72, %swap3A_73] : memref<1000x100xf32, #tpu.memory_space<vmem>>, vector<1000x100xf32>
    tpu.vector_store %arg9[%swap3A_72, %swap3A_73], %dot_general3A_71 {strides = array<i32>} : memref<1000x100xf32, #tpu.memory_space<vmem>>, vector<1000x100xf32>,
    return
  }
  func.func @transform_0(%arg0: i32) -> (i32, i32, i32) {
    %c0_i32 = arith.constant 0 : i32
    %c0_i32_0 = arith.constant 0 : i32
    %c0_i32_1 = arith.constant 0 : i32
    return %c0_i32, %arg0, %c0_i32_0 : i32, i32, i32
  }
  func.func @transform_1(%arg0: i32) -> (i32, i32, i32) {
    %c0_i32 = arith.constant 0 : i32
    %c0_i32_0 = arith.constant 0 : i32
    %c0_i32_1 = arith.constant 0 : i32
    return %c0_i32, %arg0, %c0_i32_0 : i32, i32, i32
  }
  func.func @transform_2(%arg0: i32) -> (i32, i32) {
    %c0_i32 = arith.constant 0 : i32
    %c0_i32_0 = arith.constant 0 : i32
    return %arg0, %c0_i32 : i32, i32
  }
  func.func @transform_3(%arg0: i32) -> (i32, i32) {
    %c0_i32 = arith.constant 0 : i32
    %c0_i32_0 = arith.constant 0 : i32
    %c0_i32_1 = arith.constant 0 : i32
    return %c0_i32, %c0_i32_0 : i32, i32
  }
  func.func @transform_4(%arg0: i32) -> (i32, i32) {
    %c0_i32 = arith.constant 0 : i32
    %c0_i32_0 = arith.constant 0 : i32
    %c0_i32_1 = arith.constant 0 : i32
    return %c0_i32, %c0_i32_0 : i32, i32
  }
  func.func @transform_5(%arg0: i32) -> (i32, i32) {
    %c0_i32 = arith.constant 0 : i32
    %c0_i32_0 = arith.constant 0 : i32
    %c0_i32_1 = arith.constant 0 : i32
    return %c0_i32, %c0_i32_0 : i32, i32
  }
  func.func @transform_6(%arg0: i32) -> (i32, i32) {
    %c0_i32 = arith.constant 0 : i32
    %c0_i32_0 = arith.constant 0 : i32
    return %arg0, %c0_i32 : i32, i32
  }
  func.func @transform_7(%arg0: i32) -> (i32, i32) {
    %c0_i32 = arith.constant 0 : i32
    %c0_i32_0 = arith.constant 0 : i32
    return %arg0, %c0_i32 : i32, i32
  }
  func.func @transform_8(%arg0: i32) -> (i32, i32) {
    %c0_i32 = arith.constant 0 : i32
    %c0_i32_0 = arith.constant 0 : i32
    return %arg0, %c0_i32 : i32, i32
  }
}

</mosaic_0001>

<sc_bundles>
// kernel: kernel.5.cloned.1.call-start
scs
__scs_entry_jumppad:
0x0: {  	(pc) =	sbr.rel $0x88, $3  }
0x1: {  	(tag) =	ssettag $0x0;
	lr =	simm.s32 $0x1  }
0x2: {  	[smem:$0x3F9A] =	sst lr;
	_ =	strace $0xD0000000  }
0x3: {  	_ = 	snop  }
0x4: {  	_ = 	snop  }
0x5: {  	_ = 	snop  }
0x6: {  	_ = 	snop  }
0x7: {  	_ = 	snop  }
__scs_overlays_trampoline_lowered:
0x8: {  	[smem:$0x3FA9] =	sst s0  }
0x9: {  	[smem:$0x3FAA] =	sst s1  }
0xa: {  	[smem:$0x3FAB] =	sst s2  }
0xb: {  	[smem:$0x3FAC] =	sst s3  }
0xc: {  	[smem:$0x3FAD] =	sst s4  }
0xd: {  	[smem:$0x3FAE] =	sst s5  }
0xe: {  	[smem:$0x3FAF] =	sst s6  }
0xf: {  	[smem:$0x3FB0] =	sst s7  }
0x10: {  	[smem:$0x3FB1] =	sst s8  }
0x11: {  	[smem:$0x3FB2] =	sst s9;
	s0 =	simm.s32 @!p0 $0x0  }
0x12: {  	s1 =	sld [smem:$0x3F98];
	s0 =	simm.s32 @p0 $0x1  }
0x13: {  	[smem:$0x3FB3] =	sst s0;
	s0 =	simm.s32 @!p1 $0x0  }
0x14: {  	s2 =	sld [smem:$0x3F97];
	s0 =	simm.s32 @p1 $0x1  }
0x15: {  	[smem:$0x3FB4] =	sst s0;
	s0 =	simm.s32 @!p2 $0x0  }
0x16: {  	s3 =	sld [smem:$0x3FDB];
	s0 =	simm.s32 @p2 $0x1  }
0x17: {  	s4 =	simm.s32 $0x1BF5;
	[smem:$0x3FB6] =	sst s0  }
0x18: {  	s0 =	sld [smem:$0x3F99];
	_ =	swait.ge [sflag:s4], $0x0  }
0x19: {  	s7 =	sld [smem:$0x3F9A]  }
0x1a: {  	s8 =	sadd.s32 $0xFFFFE003, lr  }
0x1b: {  	s9 =	sadd.s32 $0xFFFFFEF7, lr;
	s5 =	simm.s32 $0xFFFFFFFF;
	p2 =	slt.u32 s8, $0xFFFFF086  }
0x1c: {  	p1 =	slt.u32 s9, $0xF7A;
	s5 =	simm.s32 @!p2 $0x0  }
0x1d: {  	s5 =	simm.s32 @p1 $0x1;
	p0 =	seq.s32 s7, s2  }
0x1e: {  	s7 =	smul.u32 @!p0 $0xF7A, s2;
	p2 =	seq.s32 @!p0 s5, $0x0  }
0x1f: {  	s9 =	smul.u32 $0xF7A, s1;
	s8 =	simm.s32 @!p0 $0x1BF5;
	p2 =	por !p2, p0  }
0x20: {  	[sflag:s8] =	ssyncset.s32 @!p0 $0xFFFFF086;
	s6 =	sadd.s32 @!p0 s3, s7;
	s7 =	simm.s32 @!p0 $0x108  }
0x21: {  	s3 =	sadd.s32 s3, s9;
	s6 =	sadd.s32 @!p0 $0x88, s6;
	s7 =	simm.s32 @p2 $0x1082  }
0x22: {  	[simem:s7], [sflag:s8] =	dma.local @!p0 [hbm:s6], $0xF7A  }
0x23: {  	s9 =	sor.u32 $0xD0000000, s2;
	s6 =	simm.s32 $0x108;
	_ =	swait.ge @!p0 [sflag:s8], $0x0  }
0x24: {  	s3 =	sadd.s32 $0x88, s3;
	s6 =	simm.s32 @!p1 $0x1082;
	[sflag:s4] =	ssyncset.s32 $0xFFFFF086  }
0x25: {  	[simem:s6], [sflag:s4] =	dma.local [hbm:s3], $0xF7A  }
0x26: {  	[smem:$0x3F9A] =	sst s1;
	(tag) =	ssettag s2;
	_ =	strace s9  }
0x27: {  	s1 =	sld [smem:$0x3FAA]  }
0x28: {  	s2 =	sld [smem:$0x3FAB]  }
0x29: {  	s4 =	sld [smem:$0x3FAD]  }
0x2a: {  	p0 =	seq.s32 s5, $0x0;
	s5 =	sld [smem:$0x3FAE]  }
0x2b: {  	s6 =	sld [smem:$0x3FAF]  }
0x2c: {  	s7 =	sld [smem:$0x3FB0]  }
0x2d: {  	s3 =	simm.s32 $0x108;
	s8 =	sld [smem:$0x3FB1]  }
0x2e: {  	s3 =	simm.s32 @!p0 $0x1082;
	s9 =	sld [smem:$0x3FB2]  }
0x2f: {  	lr =	sadd.s32 s0, s3;
	s0 =	sld [smem:$0x3FA9]  }
0x30: {  	s3 =	sld [smem:$0x3FAC]  }
0x31: {  	[smem:$0x3FB5] =	sst s10  }
0x32: {  	s10 =	sld [smem:$0x3FB3];
	_ =	sdelay $0x3  }
0x33: {  	p0 =	seq.s32 s10, $0x1;
	s10 =	sld [smem:$0x3FB5];
	_ =	sdelay $0x3  }
0x34: {  	[smem:$0x3FB5] =	sst s10  }
0x35: {  	s10 =	sld [smem:$0x3FB4];
	_ =	sdelay $0x3  }
0x36: {  	p1 =	seq.s32 s10, $0x1;
	s10 =	sld [smem:$0x3FB5];
	_ =	sdelay $0x3  }
0x37: {  	[smem:$0x3FB5] =	sst s10  }
0x38: {  	s10 =	sld [smem:$0x3FB6]  }
0x39: {  	_ = 	snop;
	(pc) =	sbr.ind lr, $3  }
0x3a: {  	_ = 	snop  }
0x3b: {  	_ = 	snop  }
0x3c: {  	p2 =	seq.s32 s10, $0x1;
	s10 =	sld [smem:$0x3FB5]  }
0x3d: {  	_ =	shalt  }
0x3e: {  	_ =	shalt  }
0x3f: {  	_ =	shalt  }
0x40: {  	_ =	shalt  }
0x41: {  	_ =	shalt  }
0x42: {  	_ =	shalt  }
0x43: {  	_ =	shalt  }
0x44: {  	_ =	shalt  }
0x45: {  	_ =	shalt  }
0x46: {  	_ =	shalt  }
0x47: {  	_ =	shalt  }
0x48: {  	_ =	shalt  }
0x49: {  	_ =	shalt  }
0x4a: {  	_ =	shalt  }
0x4b: {  	_ =	shalt  }
0x4c: {  	_ =	shalt  }
0x4d: {  	_ =	shalt  }
0x4e: {  	_ =	shalt  }
0x4f: {  	_ =	shalt  }
0x50: {  	_ =	shalt  }
0x51: {  	_ =	shalt  }
0x52: {  	_ =	shalt  }
0x53: {  	_ =	shalt  }
0x54: {  	_ =	shalt  }
0x55: {  	_ =	shalt  }
0x56: {  	_ =	shalt  }
0x57: {  	_ =	shalt  }
0x58: {  	_ =	shalt  }
0x59: {  	_ =	shalt  }
0x5a: {  	_ =	shalt  }
0x5b: {  	_ =	shalt  }
0x5c: {  	_ =	shalt  }
0x5d: {  	_ =	shalt  }
0x5e: {  	_ =	shalt  }
0x5f: {  	_ =	shalt  }
0x60: {  	_ =	shalt  }
0x61: {  	_ =	shalt  }
0x62: {  	_ =	shalt  }
0x63: {  	_ =	shalt  }
0x64: {  	_ =	shalt  }
0x65: {  	_ =	shalt  }
0x66: {  	_ =	shalt  }
0x67: {  	_ =	shalt  }
0x68: {  	_ =	shalt  }
0x69: {  	_ =	shalt  }
0x6a: {  	_ =	shalt  }
0x6b: {  	_ =	shalt  }
0x6c: {  	_ =	shalt  }
0x6d: {  	_ =	shalt  }
0x6e: {  	_ =	shalt  }
0x6f: {  	_ =	shalt  }
0x70: {  	_ =	shalt  }
0x71: {  	_ =	shalt  }
0x72: {  	_ =	shalt  }
0x73: {  	_ =	shalt  }
0x74: {  	_ =	shalt  }
0x75: {  	_ =	shalt  }
0x76: {  	_ =	shalt  }
0x77: {  	_ =	shalt  }
0x78: {  	_ =	shalt  }
0x79: {  	_ =	shalt  }
0x7a: {  	_ =	shalt  }
0x7b: {  	_ =	shalt  }
0x7c: {  	_ =	shalt  }
0x7d: {  	_ =	shalt  }
0x7e: {  	_ =	shalt  }
0x7f: {  	_ =	shalt  }
0x80: {  	_ =	shalt  }
0x81: {  	_ =	shalt  }
0x82: {  	_ =	shalt  }
0x83: {  	_ =	shalt  }
0x84: {  	_ =	shalt  }
0x85: {  	_ =	shalt  }
0x86: {  	_ =	shalt  }
0x87: {  	_ =	shalt  }
.Lfunc_end0:
.L_simem_size_0:
called_computation_lowered:
.L_overlay_start_0:
0x88: {  	s2 =	sld [smem:$0x3FD9]  }
0x89: {  	s3 =	sld [smem:$0x3FFE];
	_ =	sdelay $0x1  }
0x8a: {  	s1 =	srdreg.scid  }
0x8b: {  	s0 =	sand.u32 $0x1, s1  }
0x8c: {  	s14 =	sshll.u32 s0, $0xA;
	s2 =	sadd.s32 s3, s2  }
0x8d: {  	s2 =	sadd.s32 s2, s14  }
0x8e: {  	[smem:$0x3FC1] =	sst s2  }
0x8f: {  	_ = 	snop  }
0x90: {  	s2 =	sld [smem:$0x3FD0];
	_ =	sdelay $0x2  }
0x91: {  	s15 =	simm.s32 $0xA;
	s4 =	simm.s32 $0x10  }
0x92: {  	[smem:s4], [sflag:s15] =	dma.local [hbm:s2], $0x1  }
0x93: {  	_ =	swait.eq [sflag:s15], $0x1  }
0x94: {  	s16 =	sld [smem:$0x10];
	[sflag:s15] =	ssyncset.done $0x0  }
0x95: {  	s17 =	sld [smem:$0x11];
	[sflag:s15] =	ssyncadd.s32 $0xFFFFFFFF  }
0x96: {  	s18 =	sld [smem:$0x12];
	(tm) =	ssettm $0x1  }
0x97: {  	s5 =	sld [smem:$0x3FFB];
	_ =	sdelay $0x3  }
0x98: {  	_ =	strace s5  }
0x99: {  	s5 =	sld [smem:$0x3FFC];
	_ =	sdelay $0x3  }
0x9a: {  	_ =	strace s5  }
0x9b: {  	s5 =	sld [smem:$0x3FFD];
	_ =	sdelay $0x3  }
0x9c: {  	_ =	strace s5  }
0x9d: {  	_ =	strace $0x8FFFFFFF  }
0x9e: {  	s19 =	sld [smem:$0x3FDB];
	_ =	sdelay $0x1  }
0x9f: {  	s6 =	simm.s32 $_scs_section_size  }
0xa0: {  	s7 =	simm.s32 $_size__tile_overlayer_lowered;
	s8 =	simm.s32 $_tile_overlayer_lowered  }
0xa1: {  	s22 =	simm.s32 $0x1BFF;
	s21 =	sshll.u32 s8, $0x1;
	s5 =	sadd.s32 s6, s19  }
0xa2: {  	s9 =	simm.s32 $0x0;
	s20 =	sshll.u32 s7, $0x1;
	s7 =	sadd.s32 s21, s5  }
0xa3: {  	[timem:s9], [sflag:s22] =	dma.local [hbm:s7], s20  }
0xa4: {  	_ =	swait.ge [sflag:s22], s20  }
0xa5: {  	s6 =	ssub.s32 $0x0, s20;
	[sflag:s22] =	ssyncset.done $0x0  }
0xa6: {  	[sflag:s22] =	ssyncadd.s32 s6;
	_ =	sdelay $0x1  }
0xa7: {  	s23 =	simm.s32 $0x1B8B  }
0xa8: {  	_ =	swait.ge [sflag:s23], $0x1  }
0xa9: {  	[sflag:s23] =	ssyncset.done $0x0  }
0xaa: {  	s25 =	simm.s32 $0x1B8E;
	s24 =	sld [smem:$0x3FFE];
	[sflag:s23] =	ssyncadd.s32 $0xFFFFFFFF  }
0xab: {  	s26 =	simm.s32 $execute0_lowered;
	[smem:$0x3FD2] =	sst s25  }
0xac: {  	s7 =	sshll.u32 s26, $0x1;
	_ =	strace $0x80000046;
	[dreg:$0x1] =	wrdreg $0xFFFFFFFF  }
0xad: {  	s28 =	simm.s32 $_size_execute0_lowered;
	s5 =	sadd.s32 s5, s7;
	[dreg:$0x0] =	wrdreg $0x0  }
0xae: {  	s7 =	sshll.u32 s28, $0x1;
	[dreg:$0x2] =	wrdreg s5  }
0xaf: {  	[dreg:$0x3] =	wrdreg s7  }
0xb0: {  	[dreg:$0x4] =	wrdreg $0xC0  }
0xb1: {  	_ =	task [dreg:s9], $0x5FFFF  }
0xb2: {  	[dreg:$0x1] =	wrdreg $0xFFFFFFFF  }
0xb3: {  	[dreg:$0x0] =	wrdreg $0x60  }
0xb4: {  	[dreg:$0x2] =	wrdreg s18  }
0xb5: {  	[dreg:$0x3] =	wrdreg s17  }
0xb6: {  	[dreg:$0x4] =	wrdreg s16  }
0xb7: {  	[dreg:$0x5] =	wrdreg s24  }
0xb8: {  	[dreg:$0x6] =	wrdreg $0x51000  }
0xb9: {  	[dreg:$0x7] =	wrdreg $0x9  }
0xba: {  	_ =	task.clear_ibuf [dreg:s9], $0x8FFFF;
	_ =	strace $0x90000046  }
0xbb: {  	s29 =	simm.s32 $0x9;
	_ =	strace $0x80000048  }
0xbc: {  	_ =	swait.ge [sflag:s29], $0x1  }
0xbd: {  	[sflag:s29] =	ssyncadd.s32 $0xFFFFFFFF  }
0xbe: {  	_ =	strace $0x90000048  }
0xbf: {  	_ =	sfence  }
0xc0: {  	s30 =	sld [smem:$0x0];
	_ =	sdelay $0x2  }
0xc1: {  	s31 =	sshll.u32 s1, $0xD;
	s1 =	sshrl.u32 s1, $0x2  }
0xc2: {  	s3 =	sand.u32 $0x4000, s31;
	s1 =	sadd.s32 s1, s30  }
0xc3: {  	s0 =	sor.u32 s3, s0;
	s1 =	sshll.u32 s1, $0x11  }
0xc4: {  	s0 =	sor.u32 s1, s0  }
0xc5: {  	s0 =	sadd.s32 $0x8F2B, s0  }
0xc6: {  	[sflag:s0] =	ssyncadd.remote.s32 $0x1  }
0xc7: {  	_ =	sfence.sel $0xFFFF  }
0xc8: {  	[dreg:$0x0] =	wrdreg $0xFFFFFFFF;
	(pc) =	sbr.abs _section_cstart, $3  }
0xc9: {  	[dreg:$0x1] =	wrdreg $0xFFFFFFFF  }
0xca: {  	_ =	task.clear_ibuf [dreg:s9], $0x2FFFF;
	_ =	strace $0x9FFFFFFF  }
0xcb: {  	(tm) =	ssettm $0x7FFFFFFF  }
tec
execute0_lowered:
.L_overlay_start_1:
0x0: {  	(tag) =	ssettag $0x1  }
0x1: {  	s15 =	rddreg [dreg:$0x0]  }
0x2: {  	s14 =	rddreg [dreg:$0x1]  }
0x3: {  	s1 =	rddreg [dreg:$0x2]  }
0x4: {  	s7 =	rddreg [dreg:$0x3]  }
0x5: {  	s2 =	rddreg [dreg:$0x4]  }
0x6: {  	s0 =	rddreg [dreg:$0x5];
	s3 =	simm.s32 $0x0  }
0x7: {  	s4 =	srdreg.scid;
	s20 =	simm.s32 $0x50;
	s21 =	simm.s32 $0x100  }
0x8: {  	s22 =	simm.s32 $0x1;
	[smem:$0x7FF] =	sst s3;
	s8 =	sand.u32 $0x1, s4  }
0x9: {  	s23 =	simm.s32 $0x0;
	s4 =	stileid.u32;
	s9 =	smul.u32 $0x138800, s8  }
0xa: {  	s5 =	sadd.s32 $0x1800, s7;
	s6 =	sadd.s32 $0x1200, s7;
	s10 =	smul.u32 $0x13800, s4  }
0xb: {  	s11 =	sadd.s32 $0x28A00, s7;
	s12 =	sadd.s32 $0x76C00, s7;
	s16 =	smul.u32 $0x4E000, s4  }
0xc: {  	_ =	strace $0x80000047;
	s29 =	ssub.s32 $0x2, s8;
	s18 =	smul.u32 $0x27100, s8  }
0xd: {  	s31 =	smul.u32 $0x2710, s4;
	p0 =	sne.s32 s4, $0x0;
	p1 =	sne.s32 s4, $0xF  }
0xe: {  	s13 =	sshrl.u32 s29, $0x1;
	p2 =	sne.s32 @p1 s4, $0x0;
	s10 =	sadd.s32 s10, s9  }
0xf: {  	s13 =	ssub.s32 s29, s13;
	s30 =	sshrl.u32 s16, $0x2;
	s9 =	sshrl.u32 s9, $0x3  }
0x10: {  	s16 =	sadd.s32 s31, s18;
	s18 =	sshrl.u32 @!p0 s2, $0x3;
	p2 =	por p2, !p1  }
0x11: {  	s17 =	sshrl.u32 s10, $0x3;
	s8 =	sadd.s32 s30, s2;
	s19 =	sadd.s32 $0x27000, s9  }
0x12: {  	s10 =	sadd.s32 $0x138000, s2;
	s16 =	sshrl.u32 s16, $0x3;
	s13 =	smax.u32 s13, $0x1  }
0x13: {  	s7 =	sadd.s32 s11, s17;
	s9 =	sadd.s32 s11, s19;
	s11 =	sadd.s32 s12, s17  }
0x14: {  	s12 =	sadd.s32 s12, s19;
	s14 =	sadd.s32 s16, s14;
	s15 =	sadd.s32 s16, s15  }
0x15: {  	s16 =	simm.s32 $0x2900;
	s17 =	simm.s32 $0x2;
	s19 =	simm.s32 $0x80  }
.LBB2_1:
0x16: {  	[tilespmem:s16], [sflag:$0x2] =	stream.linear.gather [hbm4b:s6+s3], $0x2800, $0x38;
	[tilespmem:$0x18980] =	vst v63  }
0x17: {  	_ =	swait.ge [sflag:s17], $0x2800  }
0x18: {  	[sflag:s17] =	ssyncset.done $0x0  }
0x19: {  	s24 =	simm.s32 @!p0 $0x1C02;
	[sflag:s17] =	ssyncadd.s32 $0xFFFFD800  }
0x1a: {  	[spmem:s18], [sflag:s24] =	dma.local @!p0 [hbm:s5], $0x27100  }
0x1b: {  	s24 =	simm.s32 @!p0 $0x2  }
0x1c: {  	_ =	swait.ge @!p0 [sflag:s24], $0x27100  }
0x1d: {  	[sflag:s24] =	ssyncset.done @!p0 $0x0  }
0x1e: {  	[sflag:s24] =	ssyncadd.s32 @!p0 $0xFFFD8F00  }
0x1f: {  	s30 =	sadd.s32 $0x0, s15;
	[bflag:$0x0] =	sbarrier.arrive $0xFFFF  }
0x20: {  	[tilespmem:s3], [sflag:$0x2] =	stream.linear.gather [hbm4b:s30+s3], $0x50, $0x38;
	[tilespmem:$0x18980] =	vst v63  }
0x21: {  	_ =	swait.ge [sflag:s17], $0x50  }
0x22: {  	[sflag:s17] =	ssyncset.done $0x0  }
0x23: {  	s31 =	sadd.s32 $0x0, s14;
	[sflag:s17] =	ssyncadd.s32 $0xFFFFFFB0  }
0x24: {  	[tilespmem:s19], [sflag:$0x2] =	stream.linear.gather [hbm4b:s31+s3], $0x50, $0x38;
	[tilespmem:$0x18980] =	vst v63  }
0x25: {  	_ =	swait.ge [sflag:s17], $0x50  }
0x26: {  	[sflag:s17] =	ssyncset.done $0x0  }
0x27: {  	[sflag:s17] =	ssyncadd.s32 $0xFFFFFFB0  }
0x28: {  	[tilespmem:s21], [sflag:$0x1] =	stream.indirect.gather [hbm4b:s1+s20], $0x80, s3, s20, $0xb8;
	[tilespmem:$0x18980] =	vst v63  }
0x29: {  	_ =	swait.ge [sflag:s22], $0x2800  }
0x2a: {  	[sflag:s22] =	ssyncset.done $0x0  }
0x2b: {  	[sflag:s22] =	ssyncadd.s32 $0xFFFFD800  }
0x2c: {  	[spmem:s2] =	stream.indirect.scatter.add.f32 [tilespmem:s21], [sflag:$0x2], $0x80, s19, s20, $0xb8;
	[tilespmem:$0x18980] =	vst v63  }
0x2d: {  	_ =	swait.ge [sflag:s17], $0x2800  }
0x2e: {  	s25 =	simm.s32 $0x14;
	s24 =	simm.s32 $0xA;
	[sflag:s17] =	ssyncset.done $0x0  }
.LBB2_2:
0x2f: {  	s26 =	sadd.s32 s24, s15  }
0x30: {  	[sflag:s17] =	ssyncadd.s32 $0xFFFFD800;
	s28 =	smov.u32 s25;
	s29 =	sadd.s32 $0xA, s25  }
0x31: {  	[tilespmem:s3], [sflag:$0x2] =	stream.linear.gather [hbm4b:s26+s3], $0x50, $0x38;
	[tilespmem:$0x18980] =	vst v63  }
0x32: {  	p3 =	sne.s32 s25, $0x4D8;
	_ =	swait.ge [sflag:s17], $0x50  }
0x33: {  	[sflag:s17] =	ssyncset.done $0x0  }
0x34: {  	s25 =	sadd.s32 s24, s14;
	s24 =	smov.u32 s28;
	[sflag:s17] =	ssyncadd.s32 $0xFFFFFFB0  }
0x35: {  	[tilespmem:s19], [sflag:$0x2] =	stream.linear.gather [hbm4b:s25+s3], $0x50, $0x38;
	[tilespmem:$0x18980] =	vst v63  }
0x36: {  	_ =	swait.ge [sflag:s17], $0x50  }
0x37: {  	[sflag:s17] =	ssyncset.done $0x0  }
0x38: {  	[sflag:s17] =	ssyncadd.s32 $0xFFFFFFB0  }
0x39: {  	[tilespmem:s21], [sflag:$0x1] =	stream.indirect.gather [hbm4b:s1+s20], $0x80, s3, s20, $0xb8;
	[tilespmem:$0x18980] =	vst v63  }
0x3a: {  	_ =	swait.ge [sflag:s22], $0x2800  }
.Ltmp0:
0x3b: {  	[sflag:s22] =	ssyncset.done $0x0;
	(pc) =	sbr.rel @p3 .LBB2_2-.Ltmp0, $4  }
0x3c: {  	[sflag:s22] =	ssyncadd.s32 $0xFFFFD800  }
0x3d: {  	[spmem:s2] =	stream.indirect.scatter.add.f32 [tilespmem:s21], [sflag:$0x2], $0x80, s19, s20, $0xb8;
	[tilespmem:$0x18980] =	vst v63  }
0x3e: {  	_ =	swait.ge [sflag:s17], $0x2800  }
0x3f: {  	s25 =	smov.u32 s29;
	[sflag:s17] =	ssyncset.done $0x0  }
0x40: {  	s25 =	sadd.s32 s24, s15;
	[sflag:s17] =	ssyncadd.s32 $0xFFFFD800  }
0x41: {  	[tilespmem:s3], [sflag:$0x2] =	stream.linear.gather [hbm4b:s25+s3], $0x50, $0x38;
	[tilespmem:$0x18980] =	vst v63  }
0x42: {  	_ =	swait.ge [sflag:s17], $0x50  }
0x43: {  	[sflag:s17] =	ssyncset.done $0x0  }
0x44: {  	s30 =	sadd.s32 s24, s14;
	[sflag:s17] =	ssyncadd.s32 $0xFFFFFFB0  }
0x45: {  	[tilespmem:s19], [sflag:$0x2] =	stream.linear.gather [hbm4b:s30+s3], $0x50, $0x38;
	[tilespmem:$0x18980] =	vst v63  }
0x46: {  	_ =	swait.ge [sflag:s17], $0x50  }
0x47: {  	[sflag:s17] =	ssyncset.done $0x0  }
0x48: {  	[sflag:s17] =	ssyncadd.s32 $0xFFFFFFB0  }
0x49: {  	[tilespmem:s21], [sflag:$0x1] =	stream.indirect.gather [hbm4b:s1+s20], $0x80, s3, s20, $0xb8;
	[tilespmem:$0x18980] =	vst v63  }
0x4a: {  	_ =	swait.ge [sflag:s22], $0x2800  }
0x4b: {  	[sflag:s22] =	ssyncset.done $0x0  }
0x4c: {  	[sflag:s22] =	ssyncadd.s32 $0xFFFFD800  }
0x4d: {  	[spmem:s2] =	stream.indirect.scatter.add.f32 [tilespmem:s21], [sflag:$0x2], $0x80, s19, s20, $0xb8;
	[tilespmem:$0x18980] =	vst v63  }
0x4e: {  	_ =	swait.ge [sflag:s17], $0x2800  }
0x4f: {  	[sflag:s17] =	ssyncset.done $0x0  }
0x50: {  	s31 =	sshll.u32 s4, $0x6;
	[sflag:s17] =	ssyncadd.s32 $0xFFFFD800  }
0x51: {  	s24 =	sor.u32 $0x1C02, s31;
	s25 =	sshrl.u32 s8, $0x3;
	[bflag:$0x0] =	sbarrier.arrive $0xFFFF  }
0x52: {  	[hbm:s7], [sflag:s24] =	dma.local [spmem:s25], $0x2700  }
0x53: {  	_ =	swait.ge [sflag:s17], $0x2700  }
0x54: {  	[sflag:s17] =	ssyncset.done $0x0  }
0x55: {  	[sflag:s17] =	ssyncadd.s32 $0xFFFFD900  }
0x56: {  	s26 =	sshrl.u32 @!p2 s2, $0x3;
	[bflag:$0x0] =	sbarrier.arrive @p1 $0xFFFF  }
0x57: {  	[spmem:s26], [sflag:s24] =	dma.local @!p2 [hbm:s5], $0x27100  }
0x58: {  	s26 =	simm.s32 @!p2 $0x2  }
0x59: {  	_ =	swait.ge @!p2 [sflag:s26], $0x27100  }
0x5a: {  	[sflag:s26] =	ssyncset.done @!p2 $0x0  }
0x5b: {  	s28 =	simm.s32 @!p1 $0x2;
	[sflag:s26] =	ssyncadd.s32 @!p2 $0xFFFD8F00;
	s26 =	sshrl.u32 @!p1 s10, $0x3  }
0x5c: {  	[hbm:s9], [sflag:s24] =	dma.local @!p1 [spmem:s26], $0x100  }
0x5d: {  	_ =	swait.ge @!p1 [sflag:s28], $0x100  }
0x5e: {  	[sflag:s28] =	ssyncset.done @!p1 $0x0  }
0x5f: {  	[sflag:s28] =	ssyncadd.s32 @!p1 $0xFFFFFF00  }
0x60: {  	[bflag:$0x0] =	sbarrier.arrive @!p1 $0xFFFF  }
0x61: {  	s28 =	sadd.s32 $0x0, s14;
	[bflag:$0x0] =	sbarrier.arrive $0xFFFF  }
0x62: {  	[tilespmem:s19], [sflag:$0x2] =	stream.linear.gather [hbm4b:s28+s3], $0x50, $0x38;
	[tilespmem:$0x18980] =	vst v63  }
0x63: {  	_ =	swait.ge [sflag:s17], $0x50  }
0x64: {  	[sflag:s17] =	ssyncset.done $0x0  }
0x65: {  	[sflag:s17] =	ssyncadd.s32 $0xFFFFFFB0  }
0x66: {  	[spmem:s2] =	stream.indirect.scatter.add.f32 [tilespmem:s16], [sflag:$0x2], $0x80, s19, s20, $0xb8;
	[tilespmem:$0x18980] =	vst v63  }
0x67: {  	_ =	swait.ge [sflag:s17], $0x2800  }
0x68: {  	s29 =	simm.s32 $0x14;
	s28 =	simm.s32 $0xA;
	[sflag:s17] =	ssyncset.done $0x0  }
.LBB2_4:
0x69: {  	s30 =	sadd.s32 s28, s14  }
0x6a: {  	[sflag:s17] =	ssyncadd.s32 $0xFFFFD800;
	s28 =	smov.u32 s29;
	s31 =	sadd.s32 $0xA, s29  }
0x6b: {  	[tilespmem:s19], [sflag:$0x2] =	stream.linear.gather [hbm4b:s30+s3], $0x50, $0x38;
	[tilespmem:$0x18980] =	vst v63  }
0x6c: {  	p3 =	sne.s32 s29, $0x4D8;
	_ =	swait.ge [sflag:s17], $0x50  }
.Ltmp1:
0x6d: {  	[sflag:s17] =	ssyncset.done $0x0;
	(pc) =	sbr.rel @p3 .LBB2_4-.Ltmp1, $4  }
0x6e: {  	[sflag:s17] =	ssyncadd.s32 $0xFFFFFFB0  }
0x6f: {  	[spmem:s2] =	stream.indirect.scatter.add.f32 [tilespmem:s16], [sflag:$0x2], $0x80, s19, s20, $0xb8;
	[tilespmem:$0x18980] =	vst v63  }
0x70: {  	_ =	swait.ge [sflag:s17], $0x2800  }
0x71: {  	s29 =	smov.u32 s31;
	[sflag:s17] =	ssyncset.done $0x0  }
0x72: {  	s28 =	sadd.s32 s28, s14;
	[sflag:s17] =	ssyncadd.s32 $0xFFFFD800  }
0x73: {  	[tilespmem:s19], [sflag:$0x2] =	stream.linear.gather [hbm4b:s28+s3], $0x50, $0x38;
	[tilespmem:$0x18980] =	vst v63  }
0x74: {  	_ =	swait.ge [sflag:s17], $0x50  }
0x75: {  	[sflag:s17] =	ssyncset.done $0x0  }
0x76: {  	[sflag:s17] =	ssyncadd.s32 $0xFFFFFFB0  }
0x77: {  	[spmem:s2] =	stream.indirect.scatter.add.f32 [tilespmem:s16], [sflag:$0x2], $0x80, s19, s20, $0xb8;
	[tilespmem:$0x18980] =	vst v63  }
0x78: {  	_ =	swait.ge [sflag:s17], $0x2800  }
0x79: {  	[sflag:s17] =	ssyncset.done $0x0  }
0x7a: {  	[sflag:s17] =	ssyncadd.s32 $0xFFFFD800  }
0x7b: {  	[bflag:$0x0] =	sbarrier.arrive $0xFFFF  }
0x7c: {  	[hbm:s11], [sflag:s24] =	dma.local [spmem:s25], $0x2700  }
0x7d: {  	_ =	swait.ge [sflag:s17], $0x2700  }
0x7e: {  	s23 =	sadd.s32 $0x1, s23;
	[sflag:s17] =	ssyncset.done $0x0  }
0x7f: {  	p3 =	sne.s32 s23, s13;
	[sflag:s17] =	ssyncadd.s32 $0xFFFFD900  }
0x80: {  	[hbm:s12], [sflag:s24] =	dma.local @!p1 [spmem:s26], $0x100  }
.Ltmp2:
0x81: {  	_ = 	snop;
	(pc) =	sbr.rel @p3 .LBB2_1-.Ltmp2, $4  }
0x82: {  	s24 =	simm.s32 @!p1 $0x2  }
0x83: {  	_ =	swait.ge @!p1 [sflag:s24], $0x100  }
0x84: {  	[sflag:s24] =	ssyncset.done @!p1 $0x0  }
0x85: {  	[sflag:s24] =	ssyncadd.s32 @!p1 $0xFFFFFF00  }
0x86: {  	_ =	sfence.sel $0x180000  }
0x87: {  	[bflag:$0x0] =	sbarrier.arrive $0xFFFF  }
0x88: {  	_ =	strace $0x90000047  }
0x89: {  	s0 =	sadd.s32 @!p0 $0x100000, s0;
	[bflag:$0x2] =	sbarrier.arrive $0xFFFF  }
0x8a: {  	[sflag:s0] =	ssyncadd.tile.s32 @!p0 $0x1;
	_ =	shalt  }
.Lfunc_end2:
_tile_overlayer_lowered:
.L_overlay_start_2:
0x8b: {  	(tag) =	ssettag $0x2  }
0x8c: {  	s0 =	rddreg [dreg:$0x0];
	s2 =	stileid.u32  }
0x8d: {  	s1 =	rddreg [dreg:$0x1];
	p0 =	sne.s32 s2, $0x0  }
0x8e: {  	s3 =	rddreg [dreg:$0x2];
	[bflag:$0x3] =	sbarrier.arrive $0xFFFF;
	s2 =	simm.s32 @!p0 $0x1C02  }
0x8f: {  	[timem:s3], [sflag:s2] =	dma.local @!p0 [hbm:s0], s1  }
0x90: {  	s0 =	simm.s32 @!p0 $0x2  }
0x91: {  	_ =	swait.ge @!p0 [sflag:s0], s1  }
0x92: {  	s1 =	ssub.s32 @!p0 $0x0, s1;
	[sflag:s0] =	ssyncset.done @!p0 $0x0  }
0x93: {  	[sflag:s0] =	ssyncadd.s32 @!p0 s1  }
0x94: {  	[bflag:$0x3] =	sbarrier.arrive $0xFFFF  }
0x95: {  	_ =	shalt  }

</sc_bundles>
